<compile_context>
chip_gen: v7x
topology: tpu7x:2x2x1
jax: 0.10.2.dev20260603
libtpu: 0.0.44.dev20260713+nightly
codegen_flags: <defaults>
</compile_context>

<pallas_src>
import functools

import jax
import jax.numpy as jnp
from jax import lax
from jax.experimental import pallas as pl
from jax.experimental.pallas import tpu as pltpu
from jax.experimental.pallas import tpu_sc as plsc

B = 16384
D = 32
OUT_D = D + 1

_info = plsc.get_sparse_core_info()
NC, NS, L = _info.num_cores, _info.num_subcores, _info.num_lanes
NW = NC * NS
BPW = B // NW
CHUNK = 128
NCHUNK = BPW // CHUNK

_mesh = plsc.VectorSubcoreMesh(core_axis_name="c", subcore_axis_name="s")


@functools.partial(
    pl.kernel,
    out_type=jax.ShapeDtypeStruct((B * OUT_D,), jnp.float32),
    mesh=_mesh,
    compiler_params=pltpu.CompilerParams(needs_layout_passes=False,
                                         use_tc_tiling_on_sc=False),
    scratch_types=[
        pltpu.VMEM((NCHUNK, CHUNK), jnp.int32),
        pltpu.VMEM((BPW, D), jnp.float32),
        pltpu.VMEM((BPW,), jnp.float32),
        pltpu.VMEM((2, L), jnp.float32),
        pltpu.VMEM((BPW * OUT_D,), jnp.float32),
        pltpu.SemaphoreType.DMA,
    ],
)
def _query_model_sc(uid_hbm, uvt_hbm, par_hbm, table_hbm, out_hbm,
                    idx_v, rows_v, vt_v, par_v, obuf, sem):
    wid = lax.axis_index("s") * NC + lax.axis_index("c")
    base = wid * BPW

    pltpu.sync_copy(uid_hbm.at[wid], idx_v)
    copies = [
        pltpu.async_copy(table_hbm.at[idx_v.at[c]],
                         rows_v.at[pl.ds(c * CHUNK, CHUNK)], sem)
        for c in range(NCHUNK)
    ]
    pltpu.sync_copy(uvt_hbm.at[pl.ds(base, BPW)], vt_v)
    pltpu.sync_copy(par_hbm, par_v)

    scale = par_v[0, :]
    bias = par_v[1, :]

    def norm_grp(j, carry):
        y = vt_v[pl.ds(j * L, L)] * scale + bias
        pos = (j * L + lax.iota(jnp.int32, L)) * OUT_D + D
        plsc.store_scatter(obuf, [pos], y)
        return carry

    lax.fori_loop(0, BPW // L, norm_grp, 0)

    for cp in copies:
        cp.wait()

    def row_copy(i, carry):
        obuf[pl.ds(i * OUT_D, L)] = rows_v[i, pl.ds(0, L)]
        obuf[pl.ds(i * OUT_D + L, L)] = rows_v[i, pl.ds(L, L)]
        return carry

    lax.fori_loop(0, BPW, row_copy, 0)

    pltpu.sync_copy(obuf, out_hbm.at[pl.ds(base * OUT_D, BPW * OUT_D)])


def kernel(user_id, user_view_time, embedding_table, norm_mean, norm_var):
    uid3 = user_id.astype(jnp.int32).reshape(NW, NCHUNK, CHUNK)
    uvt = user_view_time.reshape(B)
    scale = 1.0 / jnp.sqrt(norm_var + 1e-6)
    bias = -norm_mean * scale
    params = jnp.stack([
        jnp.broadcast_to(scale, (L,)),
        jnp.broadcast_to(bias, (L,)),
    ]).astype(jnp.float32)
    flat = _query_model_sc(uid3, uvt, params, embedding_table)
    return flat.reshape(B, OUT_D)

# --- scband reference (transcript-rebuilt; emitter-appended) ---
"""Pipeline reference for scband-query-model-45140106281516 (READ-ONLY COPY).

The authoritative reference and input builder live on the scoring server;
editing this copy changes nothing except your own understanding.
"""

import jax, jax.numpy as jnp
import numpy as np

BATCH = 16384
VOCAB = 1000000  # StringLookup vocabulary size; Embedding table has VOCAB+1 rows (OOV/mask row)
EMBED_DIM = 32


def setup_inputs(seed: int = 0) -> dict:
    key = jax.random.key(seed)
    k1, k2, k3 = jax.random.split(key, 3)
    # StringLookup output modeled directly as integer ids in [0, VOCAB)
    user_id = jax.random.randint(k1, (BATCH,), 0, VOCAB, dtype=jnp.int64)
    user_view_time = jax.random.normal(k2, (BATCH, 1), dtype=jnp.float32) * 10.0 + 50.0
    # Embedding table (len(unique_user_id)+1 rows, as in the Keras model)
    embedding_table = jax.random.normal(k3, (VOCAB + 1, EMBED_DIM), dtype=jnp.float32) * 0.05
    # Adapted Normalization layer statistics (learned/adapted, treated as params)
    norm_mean = jnp.asarray([50.0], dtype=jnp.float32)
    norm_var = jnp.asarray([100.0], dtype=jnp.float32)
    return {
        "user_id": user_id,
        "user_view_time": user_view_time,
        "embedding_table": embedding_table,
        "norm_mean": norm_mean,
        "norm_var": norm_var,
    }


def reference(user_id, user_view_time, embedding_table, norm_mean, norm_var):
    # user_embedding: StringLookup (already applied) -> Embedding gather
    emb = jnp.take(embedding_table, user_id, axis=0)  # [B, EMBED_DIM]
    # keras Normalization: (x - mean) / sqrt(var)
    normed = (user_view_time - norm_mean) / jnp.sqrt(norm_var + 1e-6)  # [B, 1]
    # tf.concat([...], axis=1)
    return jnp.concatenate([emb, normed], axis=1)  # [B, EMBED_DIM + 1]

if __name__ == "__main__":
    import jax
    _d = setup_inputs()
    print(jax.jit(kernel)(*tuple(_d.values())))

</pallas_src>

<mosaic_0001>
#map = affine_map<(d0, d1) -> (0, 0, 0)>
#map1 = affine_map<(d0, d1) -> (0)>
#map2 = affine_map<(d0, d1) -> (0, 0)>
module attributes {stable_mosaic.version = 14 : i64} {
  func.func @_query_model_sc(%arg0: i32, %arg1: i32, %arg2: memref<32x4x128xi32, #tpu.memory_space<hbm>>, %arg3: memref<16384xf32, #tpu.memory_space<hbm>>, %arg4: memref<2x16xf32, #tpu.memory_space<hbm>>, %arg5: memref<1000001x32xf32, #tpu.memory_space<hbm>>, %arg6: memref<540672xf32, #tpu.memory_space<hbm>>, %arg7: memref<4x128xi32, #tpu.memory_space<vmem>>, %arg8: memref<512x32xf32, #tpu.memory_space<vmem>>, %arg9: memref<512xf32, #tpu.memory_space<vmem>>, %arg10: memref<2x16xf32, #tpu.memory_space<vmem>>, %arg11: memref<16896xf32, #tpu.memory_space<vmem>>, %arg12: memref<!tpu.dma_semaphore, #tpu.memory_space<semaphore_mem>>) attributes {dimension_semantics = [#tpu.dimension_semantics<core_parallel>, #tpu.dimension_semantics<subcore_parallel>], iteration_bounds = array<i64: 2, 16>, scalar_prefetch = 0 : i64, scratch_operands = 6 : i64, tpu.core_type = #tpu.core_type<sc_vector_subcore>, window_params = [{transform_indices = #map}, {transform_indices = #map1}, {transform_indices = #map2}, {transform_indices = #map2}, {transform_indices = #map1}]} {
    %mul3A = arith.constant 2 : i32
    %mul3A_0 = arith.muli %arg1, %mul3A : i32
    %add3A = arith.addi %mul3A_0, %arg0 : i32
    %mul3A_1 = arith.constant 512 : i32
    %mul3A_2 = arith.muli %add3A, %mul3A_1 : i32
    "tpu.region"() ({
      %run_scoped3A = tpu.sem_alloc : memref<!tpu.dma_semaphore, #tpu.memory_space<semaphore_mem>>
      %dma_start3A_101 = arith.constant 0 : i32
      %dma_start3A_102 = arith.constant 0 : i32
      %dma_start3A_103 = tpu.memref_slice %arg2[%add3A, %dma_start3A_101, %dma_start3A_102] : memref<32x4x128xi32, #tpu.memory_space<hbm>> -> memref<1x4x128xi32, #tpu.memory_space<hbm>>
      %dma_start3A_104 = tpu.memref_squeeze %dma_start3A_103 : memref<1x4x128xi32, #tpu.memory_space<hbm>> -> memref<4x128xi32, #tpu.memory_space<hbm>>
      %dma_start3A_105 = arith.constant 0 : i32
      %dma_start3A_106 = arith.constant 0 : i32
      %dma_start3A_107 = tpu.memref_slice %arg2[%add3A, %dma_start3A_105, %dma_start3A_106] : memref<32x4x128xi32, #tpu.memory_space<hbm>> -> memref<1x4x128xi32, #tpu.memory_space<hbm>>
      %dma_start3A_108 = tpu.memref_squeeze %dma_start3A_107 : memref<1x4x128xi32, #tpu.memory_space<hbm>> -> memref<4x128xi32, #tpu.memory_space<hbm>>
      tpu.enqueue_dma source(%dma_start3A_108 : memref<4x128xi32, #tpu.memory_space<hbm>>) target(%arg7 : memref<4x128xi32, #tpu.memory_space<vmem>>) target_semaphore(%run_scoped3A : memref<!tpu.dma_semaphore, #tpu.memory_space<semaphore_mem>>)
      %dma_wait3A_109 = arith.constant 0 : i32
      %dma_wait3A_110 = arith.constant 0 : i32
      %dma_wait3A_111 = tpu.memref_slice %arg2[%add3A, %dma_wait3A_109, %dma_wait3A_110] : memref<32x4x128xi32, #tpu.memory_space<hbm>> -> memref<1x4x128xi32, #tpu.memory_space<hbm>>
      %dma_wait3A_112 = tpu.memref_squeeze %dma_wait3A_111 : memref<1x4x128xi32, #tpu.memory_space<hbm>> -> memref<4x128xi32, #tpu.memory_space<hbm>>
      %dma_wait3A_113 = arith.constant 0 : i32
      %dma_wait3A_114 = arith.constant 0 : i32
      %dma_wait3A_115 = tpu.memref_slice %arg2[%add3A, %dma_wait3A_113, %dma_wait3A_114] : memref<32x4x128xi32, #tpu.memory_space<hbm>> -> memref<1x4x128xi32, #tpu.memory_space<hbm>>
      %dma_wait3A_116 = tpu.memref_squeeze %dma_wait3A_115 : memref<1x4x128xi32, #tpu.memory_space<hbm>> -> memref<4x128xi32, #tpu.memory_space<hbm>>
      tpu.wait_dma2 semaphore(%run_scoped3A : memref<!tpu.dma_semaphore, #tpu.memory_space<semaphore_mem>>) src(%dma_wait3A_116 : memref<4x128xi32, #tpu.memory_space<hbm>>) dst(%arg7 : memref<4x128xi32, #tpu.memory_space<vmem>>)
      tpu.yield
    }) : () -> ()
    %dma_start3A = arith.constant 0 : i32
    %dma_start3A_3 = arith.constant 0 : i32
    %dma_start3A_4 = arith.constant 0 : i32
    %dma_start3A_5 = tpu.memref_slice %arg8[%dma_start3A_3, %dma_start3A_4] : memref<512x32xf32, #tpu.memory_space<vmem>> -> memref<128x32xf32, #tpu.memory_space<vmem>>
    %dma_start3A_6 = arith.constant 0 : i32
    %dma_start3A_7 = tpu.memref_slice %arg7[%dma_start3A, %dma_start3A_6] : memref<4x128xi32, #tpu.memory_space<vmem>> -> memref<1x128xi32, #tpu.memory_space<vmem>>
    %dma_start3A_8 = tpu.memref_squeeze %dma_start3A_7 : memref<1x128xi32, #tpu.memory_space<vmem>> -> memref<128xi32, #tpu.memory_space<vmem>>
    %dma_start3A_9 = arith.constant 0 : i32
    %dma_start3A_10 = arith.constant 0 : i32
    %dma_start3A_11 = tpu.memref_slice %arg5[%dma_start3A_9, %dma_start3A_10] : memref<1000001x32xf32, #tpu.memory_space<hbm>> -> memref<1000001x32xf32, #tpu.memory_space<hbm>>
    tpu.enqueue_indirect_dma source(%dma_start3A_11 : memref<1000001x32xf32, #tpu.memory_space<hbm>>) target(%dma_start3A_5 : memref<128x32xf32, #tpu.memory_space<vmem>>) offsets(%dma_start3A_8 : memref<128xi32, #tpu.memory_space<vmem>>) semaphore(%arg12 : memref<!tpu.dma_semaphore, #tpu.memory_space<semaphore_mem>>)
    %dma_start3A_12 = arith.constant 1 : i32
    %dma_start3A_13 = arith.constant 128 : i32
    %dma_start3A_14 = arith.constant 0 : i32
    %dma_start3A_15 = tpu.memref_slice %arg8[%dma_start3A_13, %dma_start3A_14] : memref<512x32xf32, #tpu.memory_space<vmem>> -> memref<128x32xf32, #tpu.memory_space<vmem>>
    %dma_start3A_16 = arith.constant 0 : i32
    %dma_start3A_17 = tpu.memref_slice %arg7[%dma_start3A_12, %dma_start3A_16] : memref<4x128xi32, #tpu.memory_space<vmem>> -> memref<1x128xi32, #tpu.memory_space<vmem>>
    %dma_start3A_18 = tpu.memref_squeeze %dma_start3A_17 : memref<1x128xi32, #tpu.memory_space<vmem>> -> memref<128xi32, #tpu.memory_space<vmem>>
    %dma_start3A_19 = arith.constant 0 : i32
    %dma_start3A_20 = arith.constant 0 : i32
    %dma_start3A_21 = tpu.memref_slice %arg5[%dma_start3A_19, %dma_start3A_20] : memref<1000001x32xf32, #tpu.memory_space<hbm>> -> memref<1000001x32xf32, #tpu.memory_space<hbm>>
    tpu.enqueue_indirect_dma source(%dma_start3A_21 : memref<1000001x32xf32, #tpu.memory_space<hbm>>) target(%dma_start3A_15 : memref<128x32xf32, #tpu.memory_space<vmem>>) offsets(%dma_start3A_18 : memref<128xi32, #tpu.memory_space<vmem>>) semaphore(%arg12 : memref<!tpu.dma_semaphore, #tpu.memory_space<semaphore_mem>>)
    %dma_start3A_22 = arith.constant 2 : i32
    %dma_start3A_23 = arith.constant 256 : i32
    %dma_start3A_24 = arith.constant 0 : i32
    %dma_start3A_25 = tpu.memref_slice %arg8[%dma_start3A_23, %dma_start3A_24] : memref<512x32xf32, #tpu.memory_space<vmem>> -> memref<128x32xf32, #tpu.memory_space<vmem>>
    %dma_start3A_26 = arith.constant 0 : i32
    %dma_start3A_27 = tpu.memref_slice %arg7[%dma_start3A_22, %dma_start3A_26] : memref<4x128xi32, #tpu.memory_space<vmem>> -> memref<1x128xi32, #tpu.memory_space<vmem>>
    %dma_start3A_28 = tpu.memref_squeeze %dma_start3A_27 : memref<1x128xi32, #tpu.memory_space<vmem>> -> memref<128xi32, #tpu.memory_space<vmem>>
    %dma_start3A_29 = arith.constant 0 : i32
    %dma_start3A_30 = arith.constant 0 : i32
    %dma_start3A_31 = tpu.memref_slice %arg5[%dma_start3A_29, %dma_start3A_30] : memref<1000001x32xf32, #tpu.memory_space<hbm>> -> memref<1000001x32xf32, #tpu.memory_space<hbm>>
    tpu.enqueue_indirect_dma source(%dma_start3A_31 : memref<1000001x32xf32, #tpu.memory_space<hbm>>) target(%dma_start3A_25 : memref<128x32xf32, #tpu.memory_space<vmem>>) offsets(%dma_start3A_28 : memref<128xi32, #tpu.memory_space<vmem>>) semaphore(%arg12 : memref<!tpu.dma_semaphore, #tpu.memory_space<semaphore_mem>>)
    %dma_start3A_32 = arith.constant 3 : i32
    %dma_start3A_33 = arith.constant 384 : i32
    %dma_start3A_34 = arith.constant 0 : i32
    %dma_start3A_35 = tpu.memref_slice %arg8[%dma_start3A_33, %dma_start3A_34] : memref<512x32xf32, #tpu.memory_space<vmem>> -> memref<128x32xf32, #tpu.memory_space<vmem>>
    %dma_start3A_36 = arith.constant 0 : i32
    %dma_start3A_37 = tpu.memref_slice %arg7[%dma_start3A_32, %dma_start3A_36] : memref<4x128xi32, #tpu.memory_space<vmem>> -> memref<1x128xi32, #tpu.memory_space<vmem>>
    %dma_start3A_38 = tpu.memref_squeeze %dma_start3A_37 : memref<1x128xi32, #tpu.memory_space<vmem>> -> memref<128xi32, #tpu.memory_space<vmem>>
    %dma_start3A_39 = arith.constant 0 : i32
    %dma_start3A_40 = arith.constant 0 : i32
    %dma_start3A_41 = tpu.memref_slice %arg5[%dma_start3A_39, %dma_start3A_40] : memref<1000001x32xf32, #tpu.memory_space<hbm>> -> memref<1000001x32xf32, #tpu.memory_space<hbm>>
    tpu.enqueue_indirect_dma source(%dma_start3A_41 : memref<1000001x32xf32, #tpu.memory_space<hbm>>) target(%dma_start3A_35 : memref<128x32xf32, #tpu.memory_space<vmem>>) offsets(%dma_start3A_38 : memref<128xi32, #tpu.memory_space<vmem>>) semaphore(%arg12 : memref<!tpu.dma_semaphore, #tpu.memory_space<semaphore_mem>>)
    "tpu.region"() ({
      %run_scoped3A = tpu.sem_alloc : memref<!tpu.dma_semaphore, #tpu.memory_space<semaphore_mem>>
      %dma_start3A_101 = tpu.memref_slice %arg3[%mul3A_2] : memref<16384xf32, #tpu.memory_space<hbm>> -> memref<512xf32, #tpu.memory_space<hbm>>
      %dma_start3A_102 = tpu.memref_slice %arg3[%mul3A_2] : memref<16384xf32, #tpu.memory_space<hbm>> -> memref<512xf32, #tpu.memory_space<hbm>>
      tpu.enqueue_dma source(%dma_start3A_102 : memref<512xf32, #tpu.memory_space<hbm>>) target(%arg9 : memref<512xf32, #tpu.memory_space<vmem>>) target_semaphore(%run_scoped3A : memref<!tpu.dma_semaphore, #tpu.memory_space<semaphore_mem>>)
      %dma_wait3A_103 = tpu.memref_slice %arg3[%mul3A_2] : memref<16384xf32, #tpu.memory_space<hbm>> -> memref<512xf32, #tpu.memory_space<hbm>>
      %dma_wait3A_104 = tpu.memref_slice %arg3[%mul3A_2] : memref<16384xf32, #tpu.memory_space<hbm>> -> memref<512xf32, #tpu.memory_space<hbm>>
      tpu.wait_dma2 semaphore(%run_scoped3A : memref<!tpu.dma_semaphore, #tpu.memory_space<semaphore_mem>>) src(%dma_wait3A_104 : memref<512xf32, #tpu.memory_space<hbm>>) dst(%arg9 : memref<512xf32, #tpu.memory_space<vmem>>)
      tpu.yield
    }) : () -> ()
    "tpu.region"() ({
      %run_scoped3A = tpu.sem_alloc : memref<!tpu.dma_semaphore, #tpu.memory_space<semaphore_mem>>
      tpu.enqueue_dma source(%arg4 : memref<2x16xf32, #tpu.memory_space<hbm>>) target(%arg10 : memref<2x16xf32, #tpu.memory_space<vmem>>) target_semaphore(%run_scoped3A : memref<!tpu.dma_semaphore, #tpu.memory_space<semaphore_mem>>)
      tpu.wait_dma2 semaphore(%run_scoped3A : memref<!tpu.dma_semaphore, #tpu.memory_space<semaphore_mem>>) src(%arg4 : memref<2x16xf32, #tpu.memory_space<hbm>>) dst(%arg10 : memref<2x16xf32, #tpu.memory_space<vmem>>)
      tpu.yield
    }) : () -> ()
    %get3A = arith.constant 0 : i32
    %get3A_42 = arith.index_cast %get3A : i32 to index
    %get3A_43 = arith.constant 0 : index
    %get3A_44 = tpu.vector_load %arg10[%get3A_42, %get3A_43] {strides = array<i32>} : memref<2x16xf32, #tpu.memory_space<vmem>>, vector<16xf32>,
    %get3A_45 = arith.constant 1 : i32
    %get3A_46 = arith.index_cast %get3A_45 : i32 to index
    %get3A_47 = arith.constant 0 : index
    %get3A_48 = tpu.vector_load %arg10[%get3A_46, %get3A_47] {strides = array<i32>} : memref<2x16xf32, #tpu.memory_space<vmem>>, vector<16xf32>,
    %scan3A = arith.constant 0 : i32
    %scan3A_49 = arith.constant 0 : i32
    %scan3A_50 = arith.constant 32 : i32
    %scan3A_51 = arith.addi %scan3A_49, %scan3A_50 : i32
    %scan3A_52 = arith.constant 1 : i32
    scf.for %scan3A_101 = %scan3A_49 to %scan3A_51 step %scan3A_52  : i32 {
      %mul3A_102 = arith.constant 16 : i32
      %mul3A_103 = arith.muli %scan3A_101, %mul3A_102 : i32
      %get3A_104 = arith.index_cast %mul3A_103 : i32 to index
      %get3A_105 = tpu.vector_load %arg9[%get3A_104] {strides = array<i32>} : memref<512xf32, #tpu.memory_space<vmem>>, vector<16xf32>,
      %mul3A_106 = arith.mulf %get3A_105, %get3A_44 : vector<16xf32>
      %add3A_107 = arith.addf %mul3A_106, %get3A_48 : vector<16xf32>
      %mul3A_108 = arith.constant 16 : i32
      %mul3A_109 = arith.muli %scan3A_101, %mul3A_108 : i32
      %iota3A = tpu.iota {dimensions = array<i32: 0>} : vector<16xi32>
      %add3A_110 = vector.broadcast %mul3A_109 : i32 to vector<16xi32>
      %add3A_111 = arith.addi %add3A_110, %iota3A : vector<16xi32>
      %mul3A_112 = arith.constant 33 : i32
      %mul3A_113 = vector.broadcast %mul3A_112 : i32 to vector<16xi32>
      %mul3A_114 = arith.muli %add3A_111, %mul3A_113 : vector<16xi32>
      %add3A_115 = arith.constant 32 : i32
      %add3A_116 = vector.broadcast %add3A_115 : i32 to vector<16xi32>
      %add3A_117 = arith.addi %mul3A_114, %add3A_116 : vector<16xi32>
      tpu.vector_store_idx %arg11[%add3A_117], %add3A_107 : memref<16896xf32, #tpu.memory_space<vmem>>[vector<16xi32>], vector<16xf32>,
    }
    %scan3A_53 = arith.constant 32 : i32
    %dma_wait3A = arith.constant 0 : i32
    %dma_wait3A_54 = arith.constant 0 : i32
    %dma_wait3A_55 = arith.constant 0 : i32
    %dma_wait3A_56 = tpu.memref_slice %arg8[%dma_wait3A_54, %dma_wait3A_55] : memref<512x32xf32, #tpu.memory_space<vmem>> -> memref<128x32xf32, #tpu.memory_space<vmem>>
    %dma_wait3A_57 = arith.constant 0 : i32
    %dma_wait3A_58 = tpu.memref_slice %arg7[%dma_wait3A, %dma_wait3A_57] : memref<4x128xi32, #tpu.memory_space<vmem>> -> memref<1x128xi32, #tpu.memory_space<vmem>>
    %dma_wait3A_59 = tpu.memref_squeeze %dma_wait3A_58 : memref<1x128xi32, #tpu.memory_space<vmem>> -> memref<128xi32, #tpu.memory_space<vmem>>
    %dma_wait3A_60 = arith.constant 0 : i32
    %dma_wait3A_61 = arith.constant 0 : i32
    %dma_wait3A_62 = tpu.memref_slice %arg5[%dma_wait3A_60, %dma_wait3A_61] : memref<1000001x32xf32, #tpu.memory_space<hbm>> -> memref<1000001x32xf32, #tpu.memory_space<hbm>>
    tpu.wait_indirect_dma semaphore(%arg12 : memref<!tpu.dma_semaphore, #tpu.memory_space<semaphore_mem>>) src(%dma_wait3A_62 : memref<1000001x32xf32, #tpu.memory_space<hbm>>) dst(%dma_wait3A_56 : memref<128x32xf32, #tpu.memory_space<vmem>>)
    %dma_wait3A_63 = arith.constant 1 : i32
    %dma_wait3A_64 = arith.constant 128 : i32
    %dma_wait3A_65 = arith.constant 0 : i32
    %dma_wait3A_66 = tpu.memref_slice %arg8[%dma_wait3A_64, %dma_wait3A_65] : memref<512x32xf32, #tpu.memory_space<vmem>> -> memref<128x32xf32, #tpu.memory_space<vmem>>
    %dma_wait3A_67 = arith.constant 0 : i32
    %dma_wait3A_68 = tpu.memref_slice %arg7[%dma_wait3A_63, %dma_wait3A_67] : memref<4x128xi32, #tpu.memory_space<vmem>> -> memref<1x128xi32, #tpu.memory_space<vmem>>
    %dma_wait3A_69 = tpu.memref_squeeze %dma_wait3A_68 : memref<1x128xi32, #tpu.memory_space<vmem>> -> memref<128xi32, #tpu.memory_space<vmem>>
    %dma_wait3A_70 = arith.constant 0 : i32
    %dma_wait3A_71 = arith.constant 0 : i32
    %dma_wait3A_72 = tpu.memref_slice %arg5[%dma_wait3A_70, %dma_wait3A_71] : memref<1000001x32xf32, #tpu.memory_space<hbm>> -> memref<1000001x32xf32, #tpu.memory_space<hbm>>
    tpu.wait_indirect_dma semaphore(%arg12 : memref<!tpu.dma_semaphore, #tpu.memory_space<semaphore_mem>>) src(%dma_wait3A_72 : memref<1000001x32xf32, #tpu.memory_space<hbm>>) dst(%dma_wait3A_66 : memref<128x32xf32, #tpu.memory_space<vmem>>)
    %dma_wait3A_73 = arith.constant 2 : i32
    %dma_wait3A_74 = arith.constant 256 : i32
    %dma_wait3A_75 = arith.constant 0 : i32
    %dma_wait3A_76 = tpu.memref_slice %arg8[%dma_wait3A_74, %dma_wait3A_75] : memref<512x32xf32, #tpu.memory_space<vmem>> -> memref<128x32xf32, #tpu.memory_space<vmem>>
    %dma_wait3A_77 = arith.constant 0 : i32
    %dma_wait3A_78 = tpu.memref_slice %arg7[%dma_wait3A_73, %dma_wait3A_77] : memref<4x128xi32, #tpu.memory_space<vmem>> -> memref<1x128xi32, #tpu.memory_space<vmem>>
    %dma_wait3A_79 = tpu.memref_squeeze %dma_wait3A_78 : memref<1x128xi32, #tpu.memory_space<vmem>> -> memref<128xi32, #tpu.memory_space<vmem>>
    %dma_wait3A_80 = arith.constant 0 : i32
    %dma_wait3A_81 = arith.constant 0 : i32
    %dma_wait3A_82 = tpu.memref_slice %arg5[%dma_wait3A_80, %dma_wait3A_81] : memref<1000001x32xf32, #tpu.memory_space<hbm>> -> memref<1000001x32xf32, #tpu.memory_space<hbm>>
    tpu.wait_indirect_dma semaphore(%arg12 : memref<!tpu.dma_semaphore, #tpu.memory_space<semaphore_mem>>) src(%dma_wait3A_82 : memref<1000001x32xf32, #tpu.memory_space<hbm>>) dst(%dma_wait3A_76 : memref<128x32xf32, #tpu.memory_space<vmem>>)
    %dma_wait3A_83 = arith.constant 3 : i32
    %dma_wait3A_84 = arith.constant 384 : i32
    %dma_wait3A_85 = arith.constant 0 : i32
    %dma_wait3A_86 = tpu.memref_slice %arg8[%dma_wait3A_84, %dma_wait3A_85] : memref<512x32xf32, #tpu.memory_space<vmem>> -> memref<128x32xf32, #tpu.memory_space<vmem>>
    %dma_wait3A_87 = arith.constant 0 : i32
    %dma_wait3A_88 = tpu.memref_slice %arg7[%dma_wait3A_83, %dma_wait3A_87] : memref<4x128xi32, #tpu.memory_space<vmem>> -> memref<1x128xi32, #tpu.memory_space<vmem>>
    %dma_wait3A_89 = tpu.memref_squeeze %dma_wait3A_88 : memref<1x128xi32, #tpu.memory_space<vmem>> -> memref<128xi32, #tpu.memory_space<vmem>>
    %dma_wait3A_90 = arith.constant 0 : i32
    %dma_wait3A_91 = arith.constant 0 : i32
    %dma_wait3A_92 = tpu.memref_slice %arg5[%dma_wait3A_90, %dma_wait3A_91] : memref<1000001x32xf32, #tpu.memory_space<hbm>> -> memref<1000001x32xf32, #tpu.memory_space<hbm>>
    tpu.wait_indirect_dma semaphore(%arg12 : memref<!tpu.dma_semaphore, #tpu.memory_space<semaphore_mem>>) src(%dma_wait3A_92 : memref<1000001x32xf32, #tpu.memory_space<hbm>>) dst(%dma_wait3A_86 : memref<128x32xf32, #tpu.memory_space<vmem>>)
    %scan3A_93 = arith.constant 0 : i32
    %scan3A_94 = arith.constant 0 : i32
    %scan3A_95 = arith.constant 512 : i32
    %scan3A_96 = arith.addi %scan3A_94, %scan3A_95 : i32
    %scan3A_97 = arith.constant 1 : i32
    scf.for %scan3A_101 = %scan3A_94 to %scan3A_96 step %scan3A_97  : i32 {
      %get3A_102 = arith.index_cast %scan3A_101 : i32 to index
      %get3A_103 = arith.constant 0 : index
      %get3A_104 = tpu.vector_load %arg8[%get3A_102, %get3A_103] {strides = array<i32>} : memref<512x32xf32, #tpu.memory_space<vmem>>, vector<16xf32>,
      %mul3A_105 = arith.constant 33 : i32
      %mul3A_106 = arith.muli %scan3A_101, %mul3A_105 : i32
      %swap3A = arith.index_cast %mul3A_106 : i32 to index
      %swap3A_107 = tpu.vector_load %arg11[%swap3A] {strides = array<i32>} : memref<16896xf32, #tpu.memory_space<vmem>>, vector<16xf32>,
      tpu.vector_store %arg11[%swap3A], %get3A_104 {strides = array<i32>} : memref<16896xf32, #tpu.memory_space<vmem>>, vector<16xf32>,
      %get3A_108 = arith.index_cast %scan3A_101 : i32 to index
      %get3A_109 = arith.constant 16 : index
      %get3A_110 = tpu.vector_load %arg8[%get3A_108, %get3A_109] {strides = array<i32>} : memref<512x32xf32, #tpu.memory_space<vmem>>, vector<16xf32>,
      %mul3A_111 = arith.constant 33 : i32
      %mul3A_112 = arith.muli %scan3A_101, %mul3A_111 : i32
      %add3A_113 = arith.constant 16 : i32
      %add3A_114 = arith.addi %mul3A_112, %add3A_113 : i32
      %swap3A_115 = arith.index_cast %add3A_114 : i32 to index
      %swap3A_116 = tpu.vector_load %arg11[%swap3A_115] {strides = array<i32>} : memref<16896xf32, #tpu.memory_space<vmem>>, vector<16xf32>,
      tpu.vector_store %arg11[%swap3A_115], %get3A_110 {strides = array<i32>} : memref<16896xf32, #tpu.memory_space<vmem>>, vector<16xf32>,
    }
    %scan3A_98 = arith.constant 512 : i32
    %mul3A_99 = arith.constant 33 : i32
    %mul3A_100 = arith.muli %mul3A_2, %mul3A_99 : i32
    "tpu.region"() ({
      %run_scoped3A = tpu.sem_alloc : memref<!tpu.dma_semaphore, #tpu.memory_space<semaphore_mem>>
      %dma_start3A_101 = tpu.memref_slice %arg6[%mul3A_100] : memref<540672xf32, #tpu.memory_space<hbm>> -> memref<16896xf32, #tpu.memory_space<hbm>>
      %dma_start3A_102 = tpu.memref_slice %arg6[%mul3A_100] : memref<540672xf32, #tpu.memory_space<hbm>> -> memref<16896xf32, #tpu.memory_space<hbm>>
      tpu.enqueue_dma source(%arg11 : memref<16896xf32, #tpu.memory_space<vmem>>) target(%dma_start3A_102 : memref<16896xf32, #tpu.memory_space<hbm>>) target_semaphore(%run_scoped3A : memref<!tpu.dma_semaphore, #tpu.memory_space<semaphore_mem>>)
      %dma_wait3A_103 = tpu.memref_slice %arg6[%mul3A_100] : memref<540672xf32, #tpu.memory_space<hbm>> -> memref<16896xf32, #tpu.memory_space<hbm>>
      %dma_wait3A_104 = tpu.memref_slice %arg6[%mul3A_100] : memref<540672xf32, #tpu.memory_space<hbm>> -> memref<16896xf32, #tpu.memory_space<hbm>>
      tpu.wait_dma2 semaphore(%run_scoped3A : memref<!tpu.dma_semaphore, #tpu.memory_space<semaphore_mem>>) src(%arg11 : memref<16896xf32, #tpu.memory_space<vmem>>) dst(%dma_wait3A_104 : memref<16896xf32, #tpu.memory_space<hbm>>)
      tpu.yield
    }) : () -> ()
    return
  }
}

</mosaic_0001>

<sc_bundles>
// kernel: kernel.3.cloned.1.call-start
scs
__scs_entry_jumppad:
0x0: {  	(pc) =	sbr.rel $0x88, $3  }
0x1: {  	(tag) =	ssettag $0x0;
	lr =	simm.s32 $0x1  }
0x2: {  	[smem:$0x3F9C] =	sst lr;
	_ =	strace $0xD0000000  }
0x3: {  	_ = 	snop  }
0x4: {  	_ = 	snop  }
0x5: {  	_ = 	snop  }
0x6: {  	_ = 	snop  }
0x7: {  	_ = 	snop  }
__scs_overlays_trampoline_lowered:
0x8: {  	[smem:$0x3FAB] =	sst s0  }
0x9: {  	[smem:$0x3FAC] =	sst s1  }
0xa: {  	[smem:$0x3FAD] =	sst s2  }
0xb: {  	[smem:$0x3FAE] =	sst s3  }
0xc: {  	[smem:$0x3FAF] =	sst s4  }
0xd: {  	[smem:$0x3FB0] =	sst s5  }
0xe: {  	[smem:$0x3FB1] =	sst s6  }
0xf: {  	[smem:$0x3FB2] =	sst s7  }
0x10: {  	[smem:$0x3FB3] =	sst s8  }
0x11: {  	[smem:$0x3FB4] =	sst s9;
	s0 =	simm.s32 @!p0 $0x0  }
0x12: {  	s1 =	sld [smem:$0x3F9A];
	s0 =	simm.s32 @p0 $0x1  }
0x13: {  	[smem:$0x3FB5] =	sst s0;
	s0 =	simm.s32 @!p1 $0x0  }
0x14: {  	s2 =	sld [smem:$0x3F99];
	s0 =	simm.s32 @p1 $0x1  }
0x15: {  	[smem:$0x3FB6] =	sst s0;
	s0 =	simm.s32 @!p2 $0x0  }
0x16: {  	s3 =	sld [smem:$0x3FDB];
	s0 =	simm.s32 @p2 $0x1  }
0x17: {  	s4 =	simm.s32 $0x1BF5;
	[smem:$0x3FB8] =	sst s0  }
0x18: {  	s0 =	sld [smem:$0x3F9B];
	_ =	swait.ge [sflag:s4], $0x0  }
0x19: {  	s7 =	sld [smem:$0x3F9C]  }
0x1a: {  	s8 =	sadd.s32 $0xFFFFE003, lr  }
0x1b: {  	s9 =	sadd.s32 $0xFFFFFEF7, lr;
	s5 =	simm.s32 $0xFFFFFFFF;
	p2 =	slt.u32 s8, $0xFFFFF086  }
0x1c: {  	p1 =	slt.u32 s9, $0xF7A;
	s5 =	simm.s32 @!p2 $0x0  }
0x1d: {  	s5 =	simm.s32 @p1 $0x1;
	p0 =	seq.s32 s7, s2  }
0x1e: {  	s7 =	smul.u32 @!p0 $0xF7A, s2;
	p2 =	seq.s32 @!p0 s5, $0x0  }
0x1f: {  	s9 =	smul.u32 $0xF7A, s1;
	s8 =	simm.s32 @!p0 $0x1BF5;
	p2 =	por !p2, p0  }
0x20: {  	[sflag:s8] =	ssyncset.s32 @!p0 $0xFFFFF086;
	s6 =	sadd.s32 @!p0 s3, s7;
	s7 =	simm.s32 @!p0 $0x108  }
0x21: {  	s3 =	sadd.s32 s3, s9;
	s6 =	sadd.s32 @!p0 $0x88, s6;
	s7 =	simm.s32 @p2 $0x1082  }
0x22: {  	[simem:s7], [sflag:s8] =	dma.local @!p0 [hbm:s6], $0xF7A  }
0x23: {  	s9 =	sor.u32 $0xD0000000, s2;
	s6 =	simm.s32 $0x108;
	_ =	swait.ge @!p0 [sflag:s8], $0x0  }
0x24: {  	s3 =	sadd.s32 $0x88, s3;
	s6 =	simm.s32 @!p1 $0x1082;
	[sflag:s4] =	ssyncset.s32 $0xFFFFF086  }
0x25: {  	[simem:s6], [sflag:s4] =	dma.local [hbm:s3], $0xF7A  }
0x26: {  	[smem:$0x3F9C] =	sst s1;
	(tag) =	ssettag s2;
	_ =	strace s9  }
0x27: {  	s1 =	sld [smem:$0x3FAC]  }
0x28: {  	s2 =	sld [smem:$0x3FAD]  }
0x29: {  	s4 =	sld [smem:$0x3FAF]  }
0x2a: {  	p0 =	seq.s32 s5, $0x0;
	s5 =	sld [smem:$0x3FB0]  }
0x2b: {  	s6 =	sld [smem:$0x3FB1]  }
0x2c: {  	s7 =	sld [smem:$0x3FB2]  }
0x2d: {  	s3 =	simm.s32 $0x108;
	s8 =	sld [smem:$0x3FB3]  }
0x2e: {  	s3 =	simm.s32 @!p0 $0x1082;
	s9 =	sld [smem:$0x3FB4]  }
0x2f: {  	lr =	sadd.s32 s0, s3;
	s0 =	sld [smem:$0x3FAB]  }
0x30: {  	s3 =	sld [smem:$0x3FAE]  }
0x31: {  	[smem:$0x3FB7] =	sst s10  }
0x32: {  	s10 =	sld [smem:$0x3FB5];
	_ =	sdelay $0x3  }
0x33: {  	p0 =	seq.s32 s10, $0x1;
	s10 =	sld [smem:$0x3FB7];
	_ =	sdelay $0x3  }
0x34: {  	[smem:$0x3FB7] =	sst s10  }
0x35: {  	s10 =	sld [smem:$0x3FB6];
	_ =	sdelay $0x3  }
0x36: {  	p1 =	seq.s32 s10, $0x1;
	s10 =	sld [smem:$0x3FB7];
	_ =	sdelay $0x3  }
0x37: {  	[smem:$0x3FB7] =	sst s10  }
0x38: {  	s10 =	sld [smem:$0x3FB8]  }
0x39: {  	_ = 	snop;
	(pc) =	sbr.ind lr, $3  }
0x3a: {  	_ = 	snop  }
0x3b: {  	_ = 	snop  }
0x3c: {  	p2 =	seq.s32 s10, $0x1;
	s10 =	sld [smem:$0x3FB7]  }
0x3d: {  	_ =	shalt  }
0x3e: {  	_ =	shalt  }
0x3f: {  	_ =	shalt  }
0x40: {  	_ =	shalt  }
0x41: {  	_ =	shalt  }
0x42: {  	_ =	shalt  }
0x43: {  	_ =	shalt  }
0x44: {  	_ =	shalt  }
0x45: {  	_ =	shalt  }
0x46: {  	_ =	shalt  }
0x47: {  	_ =	shalt  }
0x48: {  	_ =	shalt  }
0x49: {  	_ =	shalt  }
0x4a: {  	_ =	shalt  }
0x4b: {  	_ =	shalt  }
0x4c: {  	_ =	shalt  }
0x4d: {  	_ =	shalt  }
0x4e: {  	_ =	shalt  }
0x4f: {  	_ =	shalt  }
0x50: {  	_ =	shalt  }
0x51: {  	_ =	shalt  }
0x52: {  	_ =	shalt  }
0x53: {  	_ =	shalt  }
0x54: {  	_ =	shalt  }
0x55: {  	_ =	shalt  }
0x56: {  	_ =	shalt  }
0x57: {  	_ =	shalt  }
0x58: {  	_ =	shalt  }
0x59: {  	_ =	shalt  }
0x5a: {  	_ =	shalt  }
0x5b: {  	_ =	shalt  }
0x5c: {  	_ =	shalt  }
0x5d: {  	_ =	shalt  }
0x5e: {  	_ =	shalt  }
0x5f: {  	_ =	shalt  }
0x60: {  	_ =	shalt  }
0x61: {  	_ =	shalt  }
0x62: {  	_ =	shalt  }
0x63: {  	_ =	shalt  }
0x64: {  	_ =	shalt  }
0x65: {  	_ =	shalt  }
0x66: {  	_ =	shalt  }
0x67: {  	_ =	shalt  }
0x68: {  	_ =	shalt  }
0x69: {  	_ =	shalt  }
0x6a: {  	_ =	shalt  }
0x6b: {  	_ =	shalt  }
0x6c: {  	_ =	shalt  }
0x6d: {  	_ =	shalt  }
0x6e: {  	_ =	shalt  }
0x6f: {  	_ =	shalt  }
0x70: {  	_ =	shalt  }
0x71: {  	_ =	shalt  }
0x72: {  	_ =	shalt  }
0x73: {  	_ =	shalt  }
0x74: {  	_ =	shalt  }
0x75: {  	_ =	shalt  }
0x76: {  	_ =	shalt  }
0x77: {  	_ =	shalt  }
0x78: {  	_ =	shalt  }
0x79: {  	_ =	shalt  }
0x7a: {  	_ =	shalt  }
0x7b: {  	_ =	shalt  }
0x7c: {  	_ =	shalt  }
0x7d: {  	_ =	shalt  }
0x7e: {  	_ =	shalt  }
0x7f: {  	_ =	shalt  }
0x80: {  	_ =	shalt  }
0x81: {  	_ =	shalt  }
0x82: {  	_ =	shalt  }
0x83: {  	_ =	shalt  }
0x84: {  	_ =	shalt  }
0x85: {  	_ =	shalt  }
0x86: {  	_ =	shalt  }
0x87: {  	_ =	shalt  }
.Lfunc_end0:
.L_simem_size_0:
called_computation_lowered:
.L_overlay_start_0:
0x88: {  	s2 =	sld [smem:$0x3FD9]  }
0x89: {  	s3 =	sld [smem:$0x3FFE];
	_ =	sdelay $0x1  }
0x8a: {  	s1 =	srdreg.scid  }
0x8b: {  	s0 =	sand.u32 $0x1, s1  }
0x8c: {  	s17 =	sshll.u32 s0, $0xA;
	s2 =	sadd.s32 s3, s2  }
0x8d: {  	s2 =	sadd.s32 s2, s17  }
0x8e: {  	[smem:$0x3FC3] =	sst s2  }
0x8f: {  	_ = 	snop  }
0x90: {  	s2 =	sld [smem:$0x3FC9]  }
0x91: {  	s18 =	sld [smem:$0x3FC8]  }
0x92: {  	s4 =	sld [smem:$0x3FD0];
	(tm) =	ssettm $0x1  }
0x93: {  	s5 =	sld [smem:$0x3FFB];
	_ =	sdelay $0x3  }
0x94: {  	_ =	strace s5  }
0x95: {  	s5 =	sld [smem:$0x3FFC];
	_ =	sdelay $0x3  }
0x96: {  	_ =	strace s5  }
0x97: {  	s5 =	sld [smem:$0x3FFD];
	_ =	sdelay $0x3  }
0x98: {  	_ =	strace s5  }
0x99: {  	_ =	strace $0x8FFFFFFF  }
0x9a: {  	s19 =	sld [smem:$0x3FDB];
	_ =	sdelay $0x1  }
0x9b: {  	s6 =	simm.s32 $_scs_section_size  }
0x9c: {  	s7 =	simm.s32 $_size__tile_overlayer_lowered;
	s8 =	simm.s32 $_tile_overlayer_lowered  }
0x9d: {  	s22 =	simm.s32 $0x1BFF;
	s21 =	sshll.u32 s8, $0x1;
	s5 =	sadd.s32 s6, s19  }
0x9e: {  	s9 =	simm.s32 $0x0;
	s20 =	sshll.u32 s7, $0x1;
	s7 =	sadd.s32 s21, s5  }
0x9f: {  	[timem:s9], [sflag:s22] =	dma.local [hbm:s7], s20  }
0xa0: {  	_ =	swait.ge [sflag:s22], s20  }
0xa1: {  	s6 =	ssub.s32 $0x0, s20;
	[sflag:s22] =	ssyncset.done $0x0  }
0xa2: {  	[sflag:s22] =	ssyncadd.s32 s6;
	_ =	sdelay $0x1  }
0xa3: {  	s23 =	simm.s32 $0x1B8B  }
0xa4: {  	_ =	swait.ge [sflag:s23], $0x1  }
0xa5: {  	[sflag:s23] =	ssyncset.done $0x0  }
0xa6: {  	s25 =	simm.s32 $0x1B8E;
	s24 =	sld [smem:$0x3FFE];
	[sflag:s23] =	ssyncadd.s32 $0xFFFFFFFF  }
0xa7: {  	s26 =	simm.s32 $execute0_lowered;
	[smem:$0x3FD2] =	sst s25  }
0xa8: {  	s7 =	sshll.u32 s26, $0x1;
	_ =	strace $0x80000046;
	[dreg:$0x1] =	wrdreg $0xFFFFFFFF  }
0xa9: {  	s28 =	simm.s32 $_size_execute0_lowered;
	s5 =	sadd.s32 s5, s7;
	[dreg:$0x0] =	wrdreg $0x0  }
0xaa: {  	s7 =	sshll.u32 s28, $0x1;
	[dreg:$0x2] =	wrdreg s5  }
0xab: {  	[dreg:$0x3] =	wrdreg s7  }
0xac: {  	[dreg:$0x4] =	wrdreg $0xC0  }
0xad: {  	_ =	task [dreg:s9], $0x5FFFF  }
0xae: {  	[dreg:$0x1] =	wrdreg $0xFFFFFFFF  }
0xaf: {  	[dreg:$0x0] =	wrdreg $0x60  }
0xb0: {  	[dreg:$0x2] =	wrdreg s2  }
0xb1: {  	[dreg:$0x3] =	wrdreg s18  }
0xb2: {  	[dreg:$0x4] =	wrdreg s24  }
0xb3: {  	[dreg:$0x5] =	wrdreg s4  }
0xb4: {  	[dreg:$0x6] =	wrdreg $0x9  }
0xb5: {  	_ =	task.clear_ibuf [dreg:s9], $0x7FFFF;
	_ =	strace $0x90000046  }
0xb6: {  	s29 =	simm.s32 $0x9;
	_ =	strace $0x80000048  }
0xb7: {  	_ =	swait.ge [sflag:s29], $0x1  }
0xb8: {  	[sflag:s29] =	ssyncadd.s32 $0xFFFFFFFF  }
0xb9: {  	_ =	strace $0x90000048  }
0xba: {  	_ =	sfence  }
0xbb: {  	s30 =	sld [smem:$0x0];
	_ =	sdelay $0x2  }
0xbc: {  	s31 =	sshll.u32 s1, $0xD;
	s1 =	sshrl.u32 s1, $0x2  }
0xbd: {  	s3 =	sand.u32 $0x4000, s31;
	s1 =	sadd.s32 s1, s30  }
0xbe: {  	s0 =	sor.u32 s3, s0;
	s1 =	sshll.u32 s1, $0x11  }
0xbf: {  	s0 =	sor.u32 s1, s0  }
0xc0: {  	s0 =	sadd.s32 $0x8F2B, s0  }
0xc1: {  	[sflag:s0] =	ssyncadd.remote.s32 $0x1  }
0xc2: {  	_ =	sfence.sel $0xFFFF  }
0xc3: {  	[dreg:$0x0] =	wrdreg $0xFFFFFFFF;
	(pc) =	sbr.abs _section_cstart, $3  }
0xc4: {  	[dreg:$0x1] =	wrdreg $0xFFFFFFFF  }
0xc5: {  	_ =	task.clear_ibuf [dreg:s9], $0x2FFFF;
	_ =	strace $0x9FFFFFFF  }
0xc6: {  	(tm) =	ssettm $0x7FFFFFFF  }
0xc7: {  	_ =	shalt  }
tec
execute0_lowered:
.L_overlay_start_1:
0x0: {  	(tag) =	ssettag $0x1  }
0x1: {  	s5 =	rddreg [dreg:$0x0]  }
0x2: {  	s6 =	rddreg [dreg:$0x1]  }
0x3: {  	s4 =	rddreg [dreg:$0x2]  }
0x4: {  	s7 =	rddreg [dreg:$0x3]  }
0x5: {  	s0 =	rddreg [dreg:$0x4];
	s2 =	simm.s32 $0x0  }
0x6: {  	s3 =	srdreg.scid;
	s1 =	stileid.u32;
	s12 =	simm.s32 $0x1200  }
0x7: {  	s13 =	simm.s32 $0x100;
	s14 =	simm.s32 $0x2200;
	s15 =	simm.s32 $0x180  }
0x8: {  	s16 =	simm.s32 $0x3200;
	s17 =	simm.s32 $0x4400;
	s18 =	simm.s32 $0x4420  }
0x9: {  	s19 =	simm.s32 $0x1;
	s20 =	simm.s32 $0x0;
	[smem:$0x7FF] =	sst s2  }
0xa: {  	s8 =	sand.u32 $0x1, s3;
	s9 =	sshll.u32 s1, $0x1;
	s3 =	sadd.s32 $0x400, s4  }
0xb: {  	s4 =	sadd.s32 $0xF42C00, s4;
	s10 =	ssub.s32 $0x2, s8;
	s8 =	sor.u32 s8, s9  }
0xc: {  	v1 =	vlaneseq.u32;
	_ =	strace $0x80000047;
	s31 =	sshrl.u32 s10, $0x1;
	s11 =	sshll.u32 s8, $0x6  }
0xd: {  	v0 =	vmul.u32 $0x21, v1;
	s8 =	smul.u32 $0x840, s8;
	s9 =	ssub.s32 s10, s31;
	s5 =	sadd.s32 s5, s11  }
0xe: {  	s6 =	sadd.s32 s6, s11;
	s10 =	simm.s32 $0x80;
	s11 =	simm.s32 $0x200  }
0xf: {  	v1 =	vand.u32 $0x7, v1;
	v0 =	vadd.s32 $0x20, v0;
	s7 =	sadd.s32 s7, s8;
	s8 =	smax.u32 s9, $0x1;
	s9 =	simm.s32 $0x2  }
.LBB2_1:
0x10: {  	[tilespmem:s2], [sflag:$0x2] =	stream.linear.gather [hbm4b:s5+s2], $0x200, $0x38;
	[tilespmem:$0x8620] =	vst v63  }
0x11: {  	_ =	swait.ge [sflag:s9], $0x200  }
0x12: {  	[sflag:s9] =	ssyncset.done $0x0  }
0x13: {  	[sflag:s9] =	ssyncadd.s32 $0xFFFFFE00  }
0x14: {  	[tilespmem:s11], [sflag:$0x1] =	stream.indirect.gather [hbm4b:s4+s10], $0x20, s2, s10, $0xb8;
	[tilespmem:$0x8620] =	vst v63  }
0x15: {  	_ = 	snop  }
0x16: {  	[tilespmem:s12], [sflag:$0x1] =	stream.indirect.gather [hbm4b:s4+s10], $0x20, s10, s10, $0xb8;
	[tilespmem:$0x8620] =	vst v63  }
0x17: {  	_ = 	snop  }
0x18: {  	[tilespmem:s14], [sflag:$0x1] =	stream.indirect.gather [hbm4b:s4+s10], $0x20, s13, s10, $0xb8;
	[tilespmem:$0x8620] =	vst v63  }
0x19: {  	_ = 	snop  }
0x1a: {  	[tilespmem:s16], [sflag:$0x1] =	stream.indirect.gather [hbm4b:s4+s10], $0x20, s15, s10, $0xb8;
	[tilespmem:$0x8620] =	vst v63  }
0x1b: {  	s21 =	simm.s32 $0x4200  }
0x1c: {  	[tilespmem:s21], [sflag:$0x2] =	stream.linear.gather [hbm4b:s6+s2], $0x200, $0x38;
	[tilespmem:$0x8620] =	vst v63  }
0x1d: {  	_ =	swait.ge [sflag:s9], $0x200  }
0x1e: {  	[sflag:s9] =	ssyncset.done $0x0  }
0x1f: {  	[sflag:s9] =	ssyncadd.s32 $0xFFFFFE00  }
0x20: {  	[tilespmem:s17], [sflag:$0x2] =	stream.linear.gather [hbm4b:s3+s2], $0x20, $0x38;
	[tilespmem:$0x8620] =	vst v63  }
0x21: {  	_ =	swait.ge [sflag:s9], $0x20  }
0x22: {  	[sflag:s9] =	ssyncset.done $0x0  }
0x23: {  	[sflag:s9] =	ssyncadd.s32 $0xFFFFFFE0  }
0x24: {  	v3 =	vmov s2;
	v2 =	vld [tilespmem:$0x4400]  }
0x25: {  	v5 =	vmul.u32 $0x21, v3;
	v4 =	vld [tilespmem:s21+$0x0];
	_ =	sdelay $0x1  }
0x26: {  	v5 =	vbroadcast v5, $0x0;
	_ =	sdelay $0x1  }
0x27: {  	v5 =	vadd.s32 v0, v5;
	v3 =	vld [tilespmem:$0x4410]  }
0x28: {  	v6 =	vmul.f32 v4, v2;
	v4 =	vand.u32 $0xFFFFFFF8, v5  }
0x29: {  	v4 =	vor.u32 v1, v4;
	_ =	sdelay $0x1  }
0x2a: {  	s22 =	simm.s32 $0x10  }
0x2b: {  	v5 =	vmov s22;
	s22 =	simm.s32 $0x20;
	v6 =	vadd.f32 v6, v3  }
.LBB2_2:
0x2c: {  	p0 =	sne.s32 s22, $0x1F0;
	v5 =	vmul.u32 $0x21, v5  }
0x2d: {  	s21 =	sadd.s32 $0x10, s21;
	[tilespmem:v4+s18+$0x0] =	vst.idx.msk $0xffff, v6  }
0x2e: {  	v6 =	vld [tilespmem:s21+$0x0];
	v4 =	vbroadcast v5, $0x0;
	_ =	sdelay $0x1  }
0x2f: {  	v4 =	vadd.s32 v0, v4  }
.Ltmp0:
0x30: {  	v4 =	vand.u32 $0xFFFFFFF8, v4;
	(pc) =	sbr.rel @p0 .LBB2_2-.Ltmp0, $3  }
0x31: {  	v4 =	vor.u32 v1, v4  }
0x32: {  	v6 =	vmul.f32 v6, v2;
	_ =	sdelay $0x1  }
0x33: {  	v5 =	vmov s22;
	s22 =	sadd.s32 $0x10, s22;
	v6 =	vadd.f32 v6, v3  }
0x34: {  	_ =	sdelay $0x2  }
0x35: {  	v5 =	vmul.u32 $0x21, v5  }
0x36: {  	s21 =	sadd.s32 $0x10, s21;
	[tilespmem:v4+s18+$0x0] =	vst.idx.msk $0xffff, v6  }
0x37: {  	v4 =	vld [tilespmem:s21+$0x0];
	v5 =	vbroadcast v5, $0x0;
	_ =	sdelay $0x1  }
0x38: {  	v5 =	vadd.s32 v0, v5  }
0x39: {  	v5 =	vand.u32 $0xFFFFFFF8, v5  }
0x3a: {  	v5 =	vor.u32 v1, v5  }
0x3b: {  	v2 =	vmul.f32 v4, v2;
	_ =	sdelay $0x1  }
0x3c: {  	v2 =	vadd.f32 v2, v3;
	_ =	sdelay $0x1  }
0x3d: {  	[tilespmem:v5+s18+$0x0] =	vst.idx.msk $0xffff, v2  }
0x3e: {  	_ =	swait.ge [sflag:s19], $0x1000  }
0x3f: {  	[sflag:s19] =	ssyncset.done $0x0  }
0x40: {  	[sflag:s19] =	ssyncadd.s32 $0xFFFFF000  }
0x41: {  	_ =	swait.ge [sflag:s19], $0x1000  }
0x42: {  	[sflag:s19] =	ssyncset.done $0x0  }
0x43: {  	[sflag:s19] =	ssyncadd.s32 $0xFFFFF000  }
0x44: {  	_ =	swait.ge [sflag:s19], $0x1000  }
0x45: {  	[sflag:s19] =	ssyncset.done $0x0  }
0x46: {  	[sflag:s19] =	ssyncadd.s32 $0xFFFFF000  }
0x47: {  	_ =	swait.ge [sflag:s19], $0x1000  }
0x48: {  	[sflag:s19] =	ssyncset.done $0x0  }
0x49: {  	s22 =	simm.s32 $0x210;
	[sflag:s19] =	ssyncadd.s32 $0xFFFFF000  }
0x4a: {  	v2 =	vld [tilespmem:s22+$0xFFFFFFF0];
	_ =	sdelay $0x3  }
0x4b: {  	s21 =	simm.s32 $0x4420  }
0x4c: {  	[tilespmem:s21+$0x0] =	vst v2  }
0x4d: {  	v2 =	vld [tilespmem:s22+$0x0];
	_ =	sdelay $0x2  }
0x4e: {  	s31 =	simm.s32 $0x0  }
0x4f: {  	s22 =	sand.u32 $0x7FFF, s31  }
0x50: {  	[tilespmem:s22+$0x4430] =	vst v2;
	s22 =	simm.s32 $0x230  }
0x51: {  	s23 =	simm.s32 $0x21;
	s24 =	simm.s32 $0x42;
	v2 =	vld [tilespmem:s22+$0xFFFFFFF0]  }
.LBB2_4:
0x52: {  	p0 =	sne.s32 s24, $0x41DF;
	_ =	sdelay $0x2  }
0x53: {  	s21 =	sadd.s32 $0x21, s21  }
0x54: {  	[tilespmem:s21+$0x0] =	vst v2  }
0x55: {  	v2 =	vld [tilespmem:s22+$0x0];
	_ =	sdelay $0x1  }
.Ltmp1:
0x56: {  	(pc) =	sbr.rel @p0 .LBB2_4-.Ltmp1, $4  }
0x57: {  	_ = 	snop  }
0x58: {  	s25 =	sand.u32 $0x7FFF, s23;
	s23 =	smov.u32 s24  }
0x59: {  	s22 =	sadd.s32 $0x20, s22;
	[tilespmem:s25+$0x4430] =	vst v2  }
0x5a: {  	s24 =	sadd.s32 $0x21, s24;
	v2 =	vld [tilespmem:s22+$0xFFFFFFF0]  }
0x5b: {  	_ =	sdelay $0x2  }
0x5c: {  	s21 =	sadd.s32 $0x21, s21  }
0x5d: {  	[tilespmem:s21+$0x0] =	vst v2  }
0x5e: {  	v2 =	vld [tilespmem:s22+$0x0];
	_ =	sdelay $0x2  }
0x5f: {  	s20 =	sadd.s32 $0x1, s20  }
0x60: {  	s31 =	sand.u32 $0x7FFF, s23;
	p0 =	sne.s32 s20, s8  }
.Ltmp2:
0x61: {  	[tilespmem:s31+$0x4430] =	vst v2;
	(pc) =	sbr.rel @p0 .LBB2_1-.Ltmp2, $4  }
0x62: {  	[hbm4b:s7+s2] =	stream.linear.scatter [tilespmem:s18], [sflag:$0x2], $0x4200, $0x38;
	[tilespmem:$0x8620] =	vst v63  }
0x63: {  	_ =	swait.ge [sflag:s9], $0x4200  }
0x64: {  	[sflag:s9] =	ssyncset.done $0x0  }
0x65: {  	[sflag:s9] =	ssyncadd.s32 $0xFFFFBE00  }
0x66: {  	_ =	sfence.sel $0x180000  }
0x67: {  	[bflag:$0x0] =	sbarrier.arrive $0xFFFF  }
0x68: {  	p0 =	sne.s32 s1, $0x0;
	_ =	strace $0x90000047  }
0x69: {  	s0 =	sadd.s32 @!p0 $0x100000, s0;
	[bflag:$0x2] =	sbarrier.arrive $0xFFFF  }
0x6a: {  	[sflag:s0] =	ssyncadd.tile.s32 @!p0 $0x1;
	_ =	shalt  }
.Lfunc_end2:
_tile_overlayer_lowered:
.L_overlay_start_2:
0x6b: {  	(tag) =	ssettag $0x2  }
0x6c: {  	s0 =	rddreg [dreg:$0x0];
	s2 =	stileid.u32  }
0x6d: {  	s1 =	rddreg [dreg:$0x1];
	p0 =	sne.s32 s2, $0x0  }
0x6e: {  	s3 =	rddreg [dreg:$0x2];
	[bflag:$0x3] =	sbarrier.arrive $0xFFFF;
	s2 =	simm.s32 @!p0 $0x1C02  }
0x6f: {  	[timem:s3], [sflag:s2] =	dma.local @!p0 [hbm:s0], s1  }
0x70: {  	s0 =	simm.s32 @!p0 $0x2  }
0x71: {  	_ =	swait.ge @!p0 [sflag:s0], s1  }
0x72: {  	s1 =	ssub.s32 @!p0 $0x0, s1;
	[sflag:s0] =	ssyncset.done @!p0 $0x0  }
0x73: {  	[sflag:s0] =	ssyncadd.s32 @!p0 s1  }
0x74: {  	[bflag:$0x3] =	sbarrier.arrive $0xFFFF  }
0x75: {  	_ =	shalt  }

</sc_bundles>
